<compile_context>
chip_gen: v7x
topology: tpu7x:2x2x1
jax: 0.10.2.dev20260603
libtpu: 0.0.44.dev20260713+nightly
codegen_flags: <defaults>
</compile_context>

<pallas_src>
import functools

import jax
import jax.numpy as jnp
from jax import lax
from jax.experimental import pallas as pl
from jax.experimental.pallas import tpu as pltpu
from jax.experimental.pallas import tpu_sc as plsc

N_ATOMS = 100000
EMB = 128
TABLE_ROWS = 101
CHUNK = 128

_info = plsc.get_sparse_core_info()
NC = _info.num_cores
NS = _info.num_subcores
NW = NC * NS

CHUNKS_PER_W = -(-N_ATOMS // (CHUNK * NW))
SPAN = CHUNKS_PER_W * CHUNK
PAIRS = CHUNKS_PER_W // 2


def _make_lookup():
    mesh = plsc.VectorSubcoreMesh(core_axis_name="c", subcore_axis_name="s")

    @functools.partial(
        pl.kernel,
        mesh=mesh,
        out_type=jax.ShapeDtypeStruct((N_ATOMS, EMB), jnp.float32),
        scratch_types=[
            pltpu.VMEM((SPAN,), jnp.int32),
            pltpu.VMEM((CHUNK, EMB), jnp.float32),
            pltpu.VMEM((CHUNK, EMB), jnp.float32),
            pltpu.VMEM_SHARED((TABLE_ROWS, EMB), jnp.float32),
            pltpu.SemaphoreType.DMA,
            pltpu.SemaphoreType.DMA,
            pltpu.SemaphoreType.DMA,
            pltpu.SemaphoreType.DMA,
        ],
    )
    def lookup(z_hbm, table_hbm, out_hbm, idx_all, rows0, rows1,
               table_sh, gsem0, gsem1, wsem0, wsem1):
        sid = lax.axis_index("s")
        wid = sid * NC + lax.axis_index("c")

        @pl.when(sid == 0)
        def _():
            pltpu.sync_copy(table_hbm, table_sh.at[pl.ds(1, TABLE_ROWS - 1)])

        start = jnp.minimum(wid * SPAN, N_ATOMS - SPAN)
        pltpu.sync_copy(z_hbm.at[pl.ds(start, SPAN)], idx_all)

        plsc.subcore_barrier()

        rows = (rows0, rows1)
        gsem = (gsem0, gsem1)
        wsem = (wsem0, wsem1)

        def issue_gather(k, b):
            pltpu.async_copy(
                table_sh.at[idx_all.at[pl.ds(k * CHUNK, CHUNK)]],
                rows[b], gsem[b])

        def drain(sem, b):
            pltpu.make_async_copy(out_hbm.at[pl.ds(0, CHUNK)], rows[b],
                                  sem).wait()

        issue_gather(0, 0)

        def pair_body(p, carry):
            for b in range(2):
                k = 2 * p + b
                if b == 0:
                    @pl.when(p > 0)
                    def _():
                        drain(wsem[1], 1)
                else:
                    drain(wsem[0], 0)
                issue_gather(k + 1, 1 - b)
                drain(gsem[b], b)
                pltpu.async_copy(rows[b],
                                 out_hbm.at[pl.ds(start + k * CHUNK, CHUNK)],
                                 wsem[b])
            return carry

        lax.fori_loop(0, PAIRS, pair_body, 0)

        k_last = 2 * PAIRS
        drain(wsem[1], 1)
        drain(gsem[0], 0)
        pltpu.sync_copy(rows0, out_hbm.at[pl.ds(start + k_last * CHUNK, CHUNK)])

    return lookup


_lookup = _make_lookup()


def kernel(Z, W):
    return _lookup(Z, W)

# --- scband reference (transcript-rebuilt; emitter-appended) ---
"""Pipeline reference for scband-atom-embedding-72103910966013 (READ-ONLY COPY).

The authoritative reference and input builder live on the scoring server;
editing this copy changes nothing except your own understanding.
"""

import jax, jax.numpy as jnp
import numpy as np

MAX_ATOMIC_NUM = 100
N_ATOMS = 100000
EMB_SIZE = 128

def setup_inputs(seed: int = 0) -> dict:
    key = jax.random.key(seed)
    kz, kw = jax.random.split(key)
    # Atomic numbers are 1..MAX_ATOMIC_NUM (module does Z - 1 internally)
    Z = jax.random.randint(kz, (N_ATOMS,), 1, MAX_ATOMIC_NUM + 1, dtype=jnp.int32)
    # Embedding table initialized uniform(-sqrt(3), sqrt(3)) as in torch init
    W = jax.random.uniform(kw, (MAX_ATOMIC_NUM, EMB_SIZE), minval=-np.sqrt(3.0), maxval=np.sqrt(3.0), dtype=jnp.float32)
    return {"Z": Z, "W": W}

def reference(Z, W):
    # h = embeddings(Z - 1)
    h = jnp.take(W, Z - 1, axis=0)
    return h

if __name__ == "__main__":
    import jax
    _d = setup_inputs()
    print(jax.jit(kernel)(*tuple(_d.values())))

</pallas_src>

<mosaic_0001>
#map = affine_map<(d0, d1) -> (0)>
#map1 = affine_map<(d0, d1) -> (0, 0)>
module attributes {stable_mosaic.version = 14 : i64} {
  func.func @lookup(%arg0: i32, %arg1: i32, %arg2: memref<100000xi32, #tpu.memory_space<hbm>>, %arg3: memref<100x128xf32, #tpu.memory_space<hbm>>, %arg4: memref<100000x128xf32, #tpu.memory_space<hbm>>, %arg5: memref<3200xi32, #tpu.memory_space<vmem>>, %arg6: memref<128x128xf32, #tpu.memory_space<vmem>>, %arg7: memref<128x128xf32, #tpu.memory_space<vmem>>, %arg8: memref<101x128xf32, #tpu.memory_space<vmem_shared>>, %arg9: memref<!tpu.dma_semaphore, #tpu.memory_space<semaphore_mem>>, %arg10: memref<!tpu.dma_semaphore, #tpu.memory_space<semaphore_mem>>, %arg11: memref<!tpu.dma_semaphore, #tpu.memory_space<semaphore_mem>>, %arg12: memref<!tpu.dma_semaphore, #tpu.memory_space<semaphore_mem>>) attributes {dimension_semantics = [#tpu.dimension_semantics<core_parallel>, #tpu.dimension_semantics<subcore_parallel>], iteration_bounds = array<i64: 2, 16>, scalar_prefetch = 0 : i64, scratch_operands = 8 : i64, tpu.core_type = #tpu.core_type<sc_vector_subcore>, window_params = [{transform_indices = #map}, {transform_indices = #map1}, {transform_indices = #map1}]} {
    %mul3A = arith.constant 2 : i32
    %mul3A_0 = arith.muli %arg1, %mul3A : i32
    %add3A = arith.addi %mul3A_0, %arg0 : i32
    %eq3A = arith.constant 0 : i32
    %eq3A_1 = arith.cmpi eq, %arg1, %eq3A : i32
    %convert_element_type3A = arith.extui %eq3A_1 : i1 to i32
    %cond3A = arith.constant 0 : i32
    %cond3A_2 = arith.cmpi ne, %convert_element_type3A, %cond3A : i32
    scf.if %cond3A_2 {
      "tpu.region"() ({
        %run_scoped3A = tpu.sem_alloc : memref<!tpu.dma_semaphore, #tpu.memory_space<semaphore_mem>>
        %dma_start3A_28 = arith.constant 1 : i32
        %dma_start3A_29 = arith.constant 0 : i32
        %dma_start3A_30 = tpu.memref_slice %arg8[%dma_start3A_28, %dma_start3A_29] : memref<101x128xf32, #tpu.memory_space<vmem_shared>> -> memref<100x128xf32, #tpu.memory_space<vmem_shared>>
        tpu.enqueue_dma source(%arg3 : memref<100x128xf32, #tpu.memory_space<hbm>>) target(%dma_start3A_30 : memref<100x128xf32, #tpu.memory_space<vmem_shared>>) target_semaphore(%run_scoped3A : memref<!tpu.dma_semaphore, #tpu.memory_space<semaphore_mem>>)
        %dma_wait3A_31 = arith.constant 1 : i32
        %dma_wait3A_32 = arith.constant 0 : i32
        %dma_wait3A_33 = tpu.memref_slice %arg8[%dma_wait3A_31, %dma_wait3A_32] : memref<101x128xf32, #tpu.memory_space<vmem_shared>> -> memref<100x128xf32, #tpu.memory_space<vmem_shared>>
        tpu.wait_dma2 semaphore(%run_scoped3A : memref<!tpu.dma_semaphore, #tpu.memory_space<semaphore_mem>>) src(%arg3 : memref<100x128xf32, #tpu.memory_space<hbm>>) dst(%dma_wait3A_33 : memref<100x128xf32, #tpu.memory_space<vmem_shared>>)
        tpu.yield
      }) : () -> ()
    } else {
    }
    %mul3A_3 = arith.constant 3200 : i32
    %mul3A_4 = arith.muli %add3A, %mul3A_3 : i32
    %min3A = arith.constant 96800 : i32
    %min3A_5 = arith.minsi %mul3A_4, %min3A : i32
    "tpu.region"() ({
      %run_scoped3A = tpu.sem_alloc : memref<!tpu.dma_semaphore, #tpu.memory_space<semaphore_mem>>
      %dma_start3A_28 = tpu.memref_slice %arg2[%min3A_5] : memref<100000xi32, #tpu.memory_space<hbm>> -> memref<3200xi32, #tpu.memory_space<hbm>>
      %dma_start3A_29 = tpu.memref_slice %arg2[%min3A_5] : memref<100000xi32, #tpu.memory_space<hbm>> -> memref<3200xi32, #tpu.memory_space<hbm>>
      tpu.enqueue_dma source(%dma_start3A_29 : memref<3200xi32, #tpu.memory_space<hbm>>) target(%arg5 : memref<3200xi32, #tpu.memory_space<vmem>>) target_semaphore(%run_scoped3A : memref<!tpu.dma_semaphore, #tpu.memory_space<semaphore_mem>>)
      %dma_wait3A_30 = tpu.memref_slice %arg2[%min3A_5] : memref<100000xi32, #tpu.memory_space<hbm>> -> memref<3200xi32, #tpu.memory_space<hbm>>
      %dma_wait3A_31 = tpu.memref_slice %arg2[%min3A_5] : memref<100000xi32, #tpu.memory_space<hbm>> -> memref<3200xi32, #tpu.memory_space<hbm>>
      tpu.wait_dma2 semaphore(%run_scoped3A : memref<!tpu.dma_semaphore, #tpu.memory_space<semaphore_mem>>) src(%dma_wait3A_31 : memref<3200xi32, #tpu.memory_space<hbm>>) dst(%arg5 : memref<3200xi32, #tpu.memory_space<vmem>>)
      tpu.yield
    }) : () -> ()
    %barrier3A = arith.constant 0 : index
    tpu.barrier barrier_id(%barrier3A)
    %dma_start3A = arith.constant 0 : i32
    %dma_start3A_6 = tpu.memref_slice %arg5[%dma_start3A] : memref<3200xi32, #tpu.memory_space<vmem>> -> memref<128xi32, #tpu.memory_space<vmem>>
    %dma_start3A_7 = arith.constant 0 : i32
    %dma_start3A_8 = arith.constant 0 : i32
    %dma_start3A_9 = tpu.memref_slice %arg8[%dma_start3A_7, %dma_start3A_8] : memref<101x128xf32, #tpu.memory_space<vmem_shared>> -> memref<101x128xf32, #tpu.memory_space<vmem_shared>>
    tpu.enqueue_indirect_dma source(%dma_start3A_9 : memref<101x128xf32, #tpu.memory_space<vmem_shared>>) target(%arg6 : memref<128x128xf32, #tpu.memory_space<vmem>>) offsets(%dma_start3A_6 : memref<128xi32, #tpu.memory_space<vmem>>) semaphore(%arg9 : memref<!tpu.dma_semaphore, #tpu.memory_space<semaphore_mem>>)
    %scan3A = arith.constant 0 : i32
    %scan3A_10 = arith.constant 0 : i32
    %scan3A_11 = arith.constant 12 : i32
    %scan3A_12 = arith.addi %scan3A_10, %scan3A_11 : i32
    %scan3A_13 = arith.constant 1 : i32
    scf.for %scan3A_28 = %scan3A_10 to %scan3A_12 step %scan3A_13  : i32 {
      %mul3A_29 = arith.constant 2 : i32
      %mul3A_30 = arith.muli %mul3A_29, %scan3A_28 : i32
      %add3A_31 = arith.constant 0 : i32
      %add3A_32 = arith.addi %mul3A_30, %add3A_31 : i32
      %gt3A = arith.constant 0 : i32
      %gt3A_33 = arith.cmpi sgt, %scan3A_28, %gt3A : i32
      %convert_element_type3A_34 = arith.extui %gt3A_33 : i1 to i32
      %cond3A_35 = arith.constant 0 : i32
      %cond3A_36 = arith.cmpi ne, %convert_element_type3A_34, %cond3A_35 : i32
      scf.if %cond3A_36 {
        %dma_wait3A_89 = arith.constant 0 : i32
        %dma_wait3A_90 = arith.constant 0 : i32
        %dma_wait3A_91 = tpu.memref_slice %arg4[%dma_wait3A_89, %dma_wait3A_90] : memref<100000x128xf32, #tpu.memory_space<hbm>> -> memref<128x128xf32, #tpu.memory_space<hbm>>
        %dma_wait3A_92 = arith.constant 0 : i32
        %dma_wait3A_93 = arith.constant 0 : i32
        %dma_wait3A_94 = tpu.memref_slice %arg4[%dma_wait3A_92, %dma_wait3A_93] : memref<100000x128xf32, #tpu.memory_space<hbm>> -> memref<128x128xf32, #tpu.memory_space<hbm>>
        tpu.wait_dma2 semaphore(%arg12 : memref<!tpu.dma_semaphore, #tpu.memory_space<semaphore_mem>>) src(%dma_wait3A_94 : memref<128x128xf32, #tpu.memory_space<hbm>>) dst(%arg7 : memref<128x128xf32, #tpu.memory_space<vmem>>)
      } else {
      }
      %add3A_37 = arith.constant 1 : i32
      %add3A_38 = arith.addi %add3A_32, %add3A_37 : i32
      %mul3A_39 = arith.constant 128 : i32
      %mul3A_40 = arith.muli %add3A_38, %mul3A_39 : i32
      %dma_start3A_41 = tpu.memref_slice %arg5[%mul3A_40] : memref<3200xi32, #tpu.memory_space<vmem>> -> memref<128xi32, #tpu.memory_space<vmem>>
      %dma_start3A_42 = arith.constant 0 : i32
      %dma_start3A_43 = arith.constant 0 : i32
      %dma_start3A_44 = tpu.memref_slice %arg8[%dma_start3A_42, %dma_start3A_43] : memref<101x128xf32, #tpu.memory_space<vmem_shared>> -> memref<101x128xf32, #tpu.memory_space<vmem_shared>>
      tpu.enqueue_indirect_dma source(%dma_start3A_44 : memref<101x128xf32, #tpu.memory_space<vmem_shared>>) target(%arg7 : memref<128x128xf32, #tpu.memory_space<vmem>>) offsets(%dma_start3A_41 : memref<128xi32, #tpu.memory_space<vmem>>) semaphore(%arg10 : memref<!tpu.dma_semaphore, #tpu.memory_space<semaphore_mem>>)
      %dma_wait3A_45 = arith.constant 0 : i32
      %dma_wait3A_46 = arith.constant 0 : i32
      %dma_wait3A_47 = tpu.memref_slice %arg4[%dma_wait3A_45, %dma_wait3A_46] : memref<100000x128xf32, #tpu.memory_space<hbm>> -> memref<128x128xf32, #tpu.memory_space<hbm>>
      %dma_wait3A_48 = arith.constant 0 : i32
      %dma_wait3A_49 = arith.constant 0 : i32
      %dma_wait3A_50 = tpu.memref_slice %arg4[%dma_wait3A_48, %dma_wait3A_49] : memref<100000x128xf32, #tpu.memory_space<hbm>> -> memref<128x128xf32, #tpu.memory_space<hbm>>
      tpu.wait_dma2 semaphore(%arg9 : memref<!tpu.dma_semaphore, #tpu.memory_space<semaphore_mem>>) src(%dma_wait3A_50 : memref<128x128xf32, #tpu.memory_space<hbm>>) dst(%arg6 : memref<128x128xf32, #tpu.memory_space<vmem>>)
      %mul3A_51 = arith.constant 128 : i32
      %mul3A_52 = arith.muli %add3A_32, %mul3A_51 : i32
      %add3A_53 = arith.addi %min3A_5, %mul3A_52 : i32
      %dma_start3A_54 = arith.constant 0 : i32
      %dma_start3A_55 = tpu.memref_slice %arg4[%add3A_53, %dma_start3A_54] : memref<100000x128xf32, #tpu.memory_space<hbm>> -> memref<128x128xf32, #tpu.memory_space<hbm>>
      %dma_start3A_56 = arith.constant 0 : i32
      %dma_start3A_57 = tpu.memref_slice %arg4[%add3A_53, %dma_start3A_56] : memref<100000x128xf32, #tpu.memory_space<hbm>> -> memref<128x128xf32, #tpu.memory_space<hbm>>
      tpu.enqueue_dma source(%arg6 : memref<128x128xf32, #tpu.memory_space<vmem>>) target(%dma_start3A_57 : memref<128x128xf32, #tpu.memory_space<hbm>>) target_semaphore(%arg11 : memref<!tpu.dma_semaphore, #tpu.memory_space<semaphore_mem>>)
      %mul3A_58 = arith.constant 2 : i32
      %mul3A_59 = arith.muli %mul3A_58, %scan3A_28 : i32
      %add3A_60 = arith.constant 1 : i32
      %add3A_61 = arith.addi %mul3A_59, %add3A_60 : i32
      %dma_wait3A_62 = arith.constant 0 : i32
      %dma_wait3A_63 = arith.constant 0 : i32
      %dma_wait3A_64 = tpu.memref_slice %arg4[%dma_wait3A_62, %dma_wait3A_63] : memref<100000x128xf32, #tpu.memory_space<hbm>> -> memref<128x128xf32, #tpu.memory_space<hbm>>
      %dma_wait3A_65 = arith.constant 0 : i32
      %dma_wait3A_66 = arith.constant 0 : i32
      %dma_wait3A_67 = tpu.memref_slice %arg4[%dma_wait3A_65, %dma_wait3A_66] : memref<100000x128xf32, #tpu.memory_space<hbm>> -> memref<128x128xf32, #tpu.memory_space<hbm>>
      tpu.wait_dma2 semaphore(%arg11 : memref<!tpu.dma_semaphore, #tpu.memory_space<semaphore_mem>>) src(%dma_wait3A_67 : memref<128x128xf32, #tpu.memory_space<hbm>>) dst(%arg6 : memref<128x128xf32, #tpu.memory_space<vmem>>)
      %add3A_68 = arith.constant 1 : i32
      %add3A_69 = arith.addi %add3A_61, %add3A_68 : i32
      %mul3A_70 = arith.constant 128 : i32
      %mul3A_71 = arith.muli %add3A_69, %mul3A_70 : i32
      %dma_start3A_72 = tpu.memref_slice %arg5[%mul3A_71] : memref<3200xi32, #tpu.memory_space<vmem>> -> memref<128xi32, #tpu.memory_space<vmem>>
      %dma_start3A_73 = arith.constant 0 : i32
      %dma_start3A_74 = arith.constant 0 : i32
      %dma_start3A_75 = tpu.memref_slice %arg8[%dma_start3A_73, %dma_start3A_74] : memref<101x128xf32, #tpu.memory_space<vmem_shared>> -> memref<101x128xf32, #tpu.memory_space<vmem_shared>>
      tpu.enqueue_indirect_dma source(%dma_start3A_75 : memref<101x128xf32, #tpu.memory_space<vmem_shared>>) target(%arg6 : memref<128x128xf32, #tpu.memory_space<vmem>>) offsets(%dma_start3A_72 : memref<128xi32, #tpu.memory_space<vmem>>) semaphore(%arg9 : memref<!tpu.dma_semaphore, #tpu.memory_space<semaphore_mem>>)
      %dma_wait3A_76 = arith.constant 0 : i32
      %dma_wait3A_77 = arith.constant 0 : i32
      %dma_wait3A_78 = tpu.memref_slice %arg4[%dma_wait3A_76, %dma_wait3A_77] : memref<100000x128xf32, #tpu.memory_space<hbm>> -> memref<128x128xf32, #tpu.memory_space<hbm>>
      %dma_wait3A_79 = arith.constant 0 : i32
      %dma_wait3A_80 = arith.constant 0 : i32
      %dma_wait3A_81 = tpu.memref_slice %arg4[%dma_wait3A_79, %dma_wait3A_80] : memref<100000x128xf32, #tpu.memory_space<hbm>> -> memref<128x128xf32, #tpu.memory_space<hbm>>
      tpu.wait_dma2 semaphore(%arg10 : memref<!tpu.dma_semaphore, #tpu.memory_space<semaphore_mem>>) src(%dma_wait3A_81 : memref<128x128xf32, #tpu.memory_space<hbm>>) dst(%arg7 : memref<128x128xf32, #tpu.memory_space<vmem>>)
      %mul3A_82 = arith.constant 128 : i32
      %mul3A_83 = arith.muli %add3A_61, %mul3A_82 : i32
      %add3A_84 = arith.addi %min3A_5, %mul3A_83 : i32
      %dma_start3A_85 = arith.constant 0 : i32
      %dma_start3A_86 = tpu.memref_slice %arg4[%add3A_84, %dma_start3A_85] : memref<100000x128xf32, #tpu.memory_space<hbm>> -> memref<128x128xf32, #tpu.memory_space<hbm>>
      %dma_start3A_87 = arith.constant 0 : i32
      %dma_start3A_88 = tpu.memref_slice %arg4[%add3A_84, %dma_start3A_87] : memref<100000x128xf32, #tpu.memory_space<hbm>> -> memref<128x128xf32, #tpu.memory_space<hbm>>
      tpu.enqueue_dma source(%arg7 : memref<128x128xf32, #tpu.memory_space<vmem>>) target(%dma_start3A_88 : memref<128x128xf32, #tpu.memory_space<hbm>>) target_semaphore(%arg12 : memref<!tpu.dma_semaphore, #tpu.memory_space<semaphore_mem>>)
    }
    %scan3A_14 = arith.constant 12 : i32
    %dma_wait3A = arith.constant 0 : i32
    %dma_wait3A_15 = arith.constant 0 : i32
    %dma_wait3A_16 = tpu.memref_slice %arg4[%dma_wait3A, %dma_wait3A_15] : memref<100000x128xf32, #tpu.memory_space<hbm>> -> memref<128x128xf32, #tpu.memory_space<hbm>>
    %dma_wait3A_17 = arith.constant 0 : i32
    %dma_wait3A_18 = arith.constant 0 : i32
    %dma_wait3A_19 = tpu.memref_slice %arg4[%dma_wait3A_17, %dma_wait3A_18] : memref<100000x128xf32, #tpu.memory_space<hbm>> -> memref<128x128xf32, #tpu.memory_space<hbm>>
    tpu.wait_dma2 semaphore(%arg12 : memref<!tpu.dma_semaphore, #tpu.memory_space<semaphore_mem>>) src(%dma_wait3A_19 : memref<128x128xf32, #tpu.memory_space<hbm>>) dst(%arg7 : memref<128x128xf32, #tpu.memory_space<vmem>>)
    %dma_wait3A_20 = arith.constant 0 : i32
    %dma_wait3A_21 = arith.constant 0 : i32
    %dma_wait3A_22 = tpu.memref_slice %arg4[%dma_wait3A_20, %dma_wait3A_21] : memref<100000x128xf32, #tpu.memory_space<hbm>> -> memref<128x128xf32, #tpu.memory_space<hbm>>
    %dma_wait3A_23 = arith.constant 0 : i32
    %dma_wait3A_24 = arith.constant 0 : i32
    %dma_wait3A_25 = tpu.memref_slice %arg4[%dma_wait3A_23, %dma_wait3A_24] : memref<100000x128xf32, #tpu.memory_space<hbm>> -> memref<128x128xf32, #tpu.memory_space<hbm>>
    tpu.wait_dma2 semaphore(%arg9 : memref<!tpu.dma_semaphore, #tpu.memory_space<semaphore_mem>>) src(%dma_wait3A_25 : memref<128x128xf32, #tpu.memory_space<hbm>>) dst(%arg6 : memref<128x128xf32, #tpu.memory_space<vmem>>)
    %add3A_26 = arith.constant 3072 : i32
    %add3A_27 = arith.addi %min3A_5, %add3A_26 : i32
    "tpu.region"() ({
      %run_scoped3A = tpu.sem_alloc : memref<!tpu.dma_semaphore, #tpu.memory_space<semaphore_mem>>
      %dma_start3A_28 = arith.constant 0 : i32
      %dma_start3A_29 = tpu.memref_slice %arg4[%add3A_27, %dma_start3A_28] : memref<100000x128xf32, #tpu.memory_space<hbm>> -> memref<128x128xf32, #tpu.memory_space<hbm>>
      %dma_start3A_30 = arith.constant 0 : i32
      %dma_start3A_31 = tpu.memref_slice %arg4[%add3A_27, %dma_start3A_30] : memref<100000x128xf32, #tpu.memory_space<hbm>> -> memref<128x128xf32, #tpu.memory_space<hbm>>
      tpu.enqueue_dma source(%arg6 : memref<128x128xf32, #tpu.memory_space<vmem>>) target(%dma_start3A_31 : memref<128x128xf32, #tpu.memory_space<hbm>>) target_semaphore(%run_scoped3A : memref<!tpu.dma_semaphore, #tpu.memory_space<semaphore_mem>>)
      %dma_wait3A_32 = arith.constant 0 : i32
      %dma_wait3A_33 = tpu.memref_slice %arg4[%add3A_27, %dma_wait3A_32] : memref<100000x128xf32, #tpu.memory_space<hbm>> -> memref<128x128xf32, #tpu.memory_space<hbm>>
      %dma_wait3A_34 = arith.constant 0 : i32
      %dma_wait3A_35 = tpu.memref_slice %arg4[%add3A_27, %dma_wait3A_34] : memref<100000x128xf32, #tpu.memory_space<hbm>> -> memref<128x128xf32, #tpu.memory_space<hbm>>
      tpu.wait_dma2 semaphore(%run_scoped3A : memref<!tpu.dma_semaphore, #tpu.memory_space<semaphore_mem>>) src(%arg6 : memref<128x128xf32, #tpu.memory_space<vmem>>) dst(%dma_wait3A_35 : memref<128x128xf32, #tpu.memory_space<hbm>>)
      tpu.yield
    }) : () -> ()
    return
  }
}

</mosaic_0001>

<sc_bundles>
// kernel: kernel.3.cloned.1.call-start
scs
__scs_entry_jumppad:
0x0: {  	(pc) =	sbr.rel $0x88, $3  }
0x1: {  	(tag) =	ssettag $0x0;
	lr =	simm.s32 $0x1  }
0x2: {  	[smem:$0x3F9F] =	sst lr;
	_ =	strace $0xD0000000  }
0x3: {  	_ = 	snop  }
0x4: {  	_ = 	snop  }
0x5: {  	_ = 	snop  }
0x6: {  	_ = 	snop  }
0x7: {  	_ = 	snop  }
__scs_overlays_trampoline_lowered:
0x8: {  	[smem:$0x3FAE] =	sst s0  }
0x9: {  	[smem:$0x3FAF] =	sst s1  }
0xa: {  	[smem:$0x3FB0] =	sst s2  }
0xb: {  	[smem:$0x3FB1] =	sst s3  }
0xc: {  	[smem:$0x3FB2] =	sst s4  }
0xd: {  	[smem:$0x3FB3] =	sst s5  }
0xe: {  	[smem:$0x3FB4] =	sst s6  }
0xf: {  	[smem:$0x3FB5] =	sst s7  }
0x10: {  	[smem:$0x3FB6] =	sst s8  }
0x11: {  	[smem:$0x3FB7] =	sst s9;
	s0 =	simm.s32 @!p0 $0x0  }
0x12: {  	s1 =	sld [smem:$0x3F9D];
	s0 =	simm.s32 @p0 $0x1  }
0x13: {  	[smem:$0x3FB8] =	sst s0;
	s0 =	simm.s32 @!p1 $0x0  }
0x14: {  	s2 =	sld [smem:$0x3F9C];
	s0 =	simm.s32 @p1 $0x1  }
0x15: {  	[smem:$0x3FB9] =	sst s0;
	s0 =	simm.s32 @!p2 $0x0  }
0x16: {  	s3 =	sld [smem:$0x3FDB];
	s0 =	simm.s32 @p2 $0x1  }
0x17: {  	s4 =	simm.s32 $0x1BF5;
	[smem:$0x3FBB] =	sst s0  }
0x18: {  	s0 =	sld [smem:$0x3F9E];
	_ =	swait.ge [sflag:s4], $0x0  }
0x19: {  	s7 =	sld [smem:$0x3F9F]  }
0x1a: {  	s8 =	sadd.s32 $0xFFFFE003, lr  }
0x1b: {  	s9 =	sadd.s32 $0xFFFFFEF7, lr;
	s5 =	simm.s32 $0xFFFFFFFF;
	p2 =	slt.u32 s8, $0xFFFFF086  }
0x1c: {  	p1 =	slt.u32 s9, $0xF7A;
	s5 =	simm.s32 @!p2 $0x0  }
0x1d: {  	s5 =	simm.s32 @p1 $0x1;
	p0 =	seq.s32 s7, s2  }
0x1e: {  	s7 =	smul.u32 @!p0 $0xF7A, s2;
	p2 =	seq.s32 @!p0 s5, $0x0  }
0x1f: {  	s9 =	smul.u32 $0xF7A, s1;
	s8 =	simm.s32 @!p0 $0x1BF5;
	p2 =	por !p2, p0  }
0x20: {  	[sflag:s8] =	ssyncset.s32 @!p0 $0xFFFFF086;
	s6 =	sadd.s32 @!p0 s3, s7;
	s7 =	simm.s32 @!p0 $0x108  }
0x21: {  	s3 =	sadd.s32 s3, s9;
	s6 =	sadd.s32 @!p0 $0x88, s6;
	s7 =	simm.s32 @p2 $0x1082  }
0x22: {  	[simem:s7], [sflag:s8] =	dma.local @!p0 [hbm:s6], $0xF7A  }
0x23: {  	s9 =	sor.u32 $0xD0000000, s2;
	s6 =	simm.s32 $0x108;
	_ =	swait.ge @!p0 [sflag:s8], $0x0  }
0x24: {  	s3 =	sadd.s32 $0x88, s3;
	s6 =	simm.s32 @!p1 $0x1082;
	[sflag:s4] =	ssyncset.s32 $0xFFFFF086  }
0x25: {  	[simem:s6], [sflag:s4] =	dma.local [hbm:s3], $0xF7A  }
0x26: {  	[smem:$0x3F9F] =	sst s1;
	(tag) =	ssettag s2;
	_ =	strace s9  }
0x27: {  	s1 =	sld [smem:$0x3FAF]  }
0x28: {  	s2 =	sld [smem:$0x3FB0]  }
0x29: {  	s4 =	sld [smem:$0x3FB2]  }
0x2a: {  	p0 =	seq.s32 s5, $0x0;
	s5 =	sld [smem:$0x3FB3]  }
0x2b: {  	s6 =	sld [smem:$0x3FB4]  }
0x2c: {  	s7 =	sld [smem:$0x3FB5]  }
0x2d: {  	s3 =	simm.s32 $0x108;
	s8 =	sld [smem:$0x3FB6]  }
0x2e: {  	s3 =	simm.s32 @!p0 $0x1082;
	s9 =	sld [smem:$0x3FB7]  }
0x2f: {  	lr =	sadd.s32 s0, s3;
	s0 =	sld [smem:$0x3FAE]  }
0x30: {  	s3 =	sld [smem:$0x3FB1]  }
0x31: {  	[smem:$0x3FBA] =	sst s10  }
0x32: {  	s10 =	sld [smem:$0x3FB8];
	_ =	sdelay $0x3  }
0x33: {  	p0 =	seq.s32 s10, $0x1;
	s10 =	sld [smem:$0x3FBA];
	_ =	sdelay $0x3  }
0x34: {  	[smem:$0x3FBA] =	sst s10  }
0x35: {  	s10 =	sld [smem:$0x3FB9];
	_ =	sdelay $0x3  }
0x36: {  	p1 =	seq.s32 s10, $0x1;
	s10 =	sld [smem:$0x3FBA];
	_ =	sdelay $0x3  }
0x37: {  	[smem:$0x3FBA] =	sst s10  }
0x38: {  	s10 =	sld [smem:$0x3FBB]  }
0x39: {  	_ = 	snop;
	(pc) =	sbr.ind lr, $3  }
0x3a: {  	_ = 	snop  }
0x3b: {  	_ = 	snop  }
0x3c: {  	p2 =	seq.s32 s10, $0x1;
	s10 =	sld [smem:$0x3FBA]  }
0x3d: {  	_ =	shalt  }
0x3e: {  	_ =	shalt  }
0x3f: {  	_ =	shalt  }
0x40: {  	_ =	shalt  }
0x41: {  	_ =	shalt  }
0x42: {  	_ =	shalt  }
0x43: {  	_ =	shalt  }
0x44: {  	_ =	shalt  }
0x45: {  	_ =	shalt  }
0x46: {  	_ =	shalt  }
0x47: {  	_ =	shalt  }
0x48: {  	_ =	shalt  }
0x49: {  	_ =	shalt  }
0x4a: {  	_ =	shalt  }
0x4b: {  	_ =	shalt  }
0x4c: {  	_ =	shalt  }
0x4d: {  	_ =	shalt  }
0x4e: {  	_ =	shalt  }
0x4f: {  	_ =	shalt  }
0x50: {  	_ =	shalt  }
0x51: {  	_ =	shalt  }
0x52: {  	_ =	shalt  }
0x53: {  	_ =	shalt  }
0x54: {  	_ =	shalt  }
0x55: {  	_ =	shalt  }
0x56: {  	_ =	shalt  }
0x57: {  	_ =	shalt  }
0x58: {  	_ =	shalt  }
0x59: {  	_ =	shalt  }
0x5a: {  	_ =	shalt  }
0x5b: {  	_ =	shalt  }
0x5c: {  	_ =	shalt  }
0x5d: {  	_ =	shalt  }
0x5e: {  	_ =	shalt  }
0x5f: {  	_ =	shalt  }
0x60: {  	_ =	shalt  }
0x61: {  	_ =	shalt  }
0x62: {  	_ =	shalt  }
0x63: {  	_ =	shalt  }
0x64: {  	_ =	shalt  }
0x65: {  	_ =	shalt  }
0x66: {  	_ =	shalt  }
0x67: {  	_ =	shalt  }
0x68: {  	_ =	shalt  }
0x69: {  	_ =	shalt  }
0x6a: {  	_ =	shalt  }
0x6b: {  	_ =	shalt  }
0x6c: {  	_ =	shalt  }
0x6d: {  	_ =	shalt  }
0x6e: {  	_ =	shalt  }
0x6f: {  	_ =	shalt  }
0x70: {  	_ =	shalt  }
0x71: {  	_ =	shalt  }
0x72: {  	_ =	shalt  }
0x73: {  	_ =	shalt  }
0x74: {  	_ =	shalt  }
0x75: {  	_ =	shalt  }
0x76: {  	_ =	shalt  }
0x77: {  	_ =	shalt  }
0x78: {  	_ =	shalt  }
0x79: {  	_ =	shalt  }
0x7a: {  	_ =	shalt  }
0x7b: {  	_ =	shalt  }
0x7c: {  	_ =	shalt  }
0x7d: {  	_ =	shalt  }
0x7e: {  	_ =	shalt  }
0x7f: {  	_ =	shalt  }
0x80: {  	_ =	shalt  }
0x81: {  	_ =	shalt  }
0x82: {  	_ =	shalt  }
0x83: {  	_ =	shalt  }
0x84: {  	_ =	shalt  }
0x85: {  	_ =	shalt  }
0x86: {  	_ =	shalt  }
0x87: {  	_ =	shalt  }
.Lfunc_end0:
.L_simem_size_0:
called_computation_lowered:
.L_overlay_start_0:
0x88: {  	s2 =	sld [smem:$0x3FD9]  }
0x89: {  	s3 =	sld [smem:$0x3FFE];
	_ =	sdelay $0x1  }
0x8a: {  	s1 =	srdreg.scid  }
0x8b: {  	s0 =	sand.u32 $0x1, s1  }
0x8c: {  	s18 =	sshll.u32 s0, $0xA;
	s2 =	sadd.s32 s3, s2  }
0x8d: {  	s2 =	sadd.s32 s2, s18  }
0x8e: {  	[smem:$0x3FC6] =	sst s2  }
0x8f: {  	_ = 	snop  }
0x90: {  	s2 =	sld [smem:$0x3FC9]  }
0x91: {  	s19 =	sld [smem:$0x3FC8]  }
0x92: {  	s4 =	sld [smem:$0x3FD0];
	(tm) =	ssettm $0x1  }
0x93: {  	s5 =	sld [smem:$0x3FFB];
	_ =	sdelay $0x3  }
0x94: {  	_ =	strace s5  }
0x95: {  	s5 =	sld [smem:$0x3FFC];
	_ =	sdelay $0x3  }
0x96: {  	_ =	strace s5  }
0x97: {  	s5 =	sld [smem:$0x3FFD];
	_ =	sdelay $0x3  }
0x98: {  	_ =	strace s5  }
0x99: {  	_ =	strace $0x8FFFFFFF  }
0x9a: {  	s20 =	sld [smem:$0x3FDB];
	_ =	sdelay $0x1  }
0x9b: {  	s6 =	simm.s32 $_scs_section_size  }
0x9c: {  	s7 =	simm.s32 $_size__tile_overlayer_lowered;
	s8 =	simm.s32 $_tile_overlayer_lowered  }
0x9d: {  	s23 =	simm.s32 $0x1BFF;
	s22 =	sshll.u32 s8, $0x1;
	s5 =	sadd.s32 s6, s20  }
0x9e: {  	s9 =	simm.s32 $0x0;
	s21 =	sshll.u32 s7, $0x1;
	s7 =	sadd.s32 s22, s5  }
0x9f: {  	[timem:s9], [sflag:s23] =	dma.local [hbm:s7], s21  }
0xa0: {  	_ =	swait.ge [sflag:s23], s21  }
0xa1: {  	s6 =	ssub.s32 $0x0, s21;
	[sflag:s23] =	ssyncset.done $0x0  }
0xa2: {  	[sflag:s23] =	ssyncadd.s32 s6;
	_ =	sdelay $0x1  }
0xa3: {  	s24 =	simm.s32 $0x1B8B  }
0xa4: {  	_ =	swait.ge [sflag:s24], $0x1  }
0xa5: {  	[sflag:s24] =	ssyncset.done $0x0  }
0xa6: {  	s25 =	simm.s32 $0x1B8E;
	[sflag:s24] =	ssyncadd.s32 $0xFFFFFFFF  }
0xa7: {  	s26 =	simm.s32 $execute0_lowered;
	[smem:$0x3FD2] =	sst s25  }
0xa8: {  	s6 =	sshll.u32 s26, $0x1;
	_ =	strace $0x80000046;
	[dreg:$0x1] =	wrdreg $0xFFFFFFFF  }
0xa9: {  	s28 =	simm.s32 $_size_execute0_lowered;
	s5 =	sadd.s32 s5, s6;
	[dreg:$0x0] =	wrdreg $0x0  }
0xaa: {  	s6 =	sshll.u32 s28, $0x1;
	[dreg:$0x2] =	wrdreg s5  }
0xab: {  	[dreg:$0x3] =	wrdreg s6  }
0xac: {  	[dreg:$0x4] =	wrdreg $0xC0  }
0xad: {  	_ =	task [dreg:s9], $0x5FFFF  }
0xae: {  	[dreg:$0x1] =	wrdreg $0xFFFFFFFF  }
0xaf: {  	[dreg:$0x0] =	wrdreg $0x60  }
0xb0: {  	[dreg:$0x2] =	wrdreg s2  }
0xb1: {  	[dreg:$0x3] =	wrdreg s19  }
0xb2: {  	[dreg:$0x4] =	wrdreg s4  }
0xb3: {  	[dreg:$0x5] =	wrdreg $0x8C800  }
0xb4: {  	[dreg:$0x6] =	wrdreg $0x9  }
0xb5: {  	_ =	task.clear_ibuf [dreg:s9], $0x7FFFF;
	_ =	strace $0x90000046  }
0xb6: {  	s29 =	simm.s32 $0x9;
	_ =	strace $0x80000048  }
0xb7: {  	_ =	swait.ge [sflag:s29], $0x1  }
0xb8: {  	[sflag:s29] =	ssyncadd.s32 $0xFFFFFFFF  }
0xb9: {  	_ =	strace $0x90000048  }
0xba: {  	_ =	sfence  }
0xbb: {  	s30 =	sld [smem:$0x0];
	_ =	sdelay $0x2  }
0xbc: {  	s31 =	sshll.u32 s1, $0xD;
	s1 =	sshrl.u32 s1, $0x2  }
0xbd: {  	s3 =	sand.u32 $0x4000, s31;
	s1 =	sadd.s32 s1, s30  }
0xbe: {  	s0 =	sor.u32 s3, s0;
	s1 =	sshll.u32 s1, $0x11  }
0xbf: {  	s0 =	sor.u32 s1, s0  }
0xc0: {  	s0 =	sadd.s32 $0x8F2B, s0  }
0xc1: {  	[sflag:s0] =	ssyncadd.remote.s32 $0x1  }
0xc2: {  	_ =	sfence.sel $0xFFFF  }
0xc3: {  	[dreg:$0x0] =	wrdreg $0xFFFFFFFF;
	(pc) =	sbr.abs _section_cstart, $3  }
0xc4: {  	[dreg:$0x1] =	wrdreg $0xFFFFFFFF  }
0xc5: {  	_ =	task.clear_ibuf [dreg:s9], $0x2FFFF;
	_ =	strace $0x9FFFFFFF  }
0xc6: {  	(tm) =	ssettm $0x7FFFFFFF  }
0xc7: {  	_ =	shalt  }
tec
execute0_lowered:
.L_overlay_start_1:
0x0: {  	(tag) =	ssettag $0x1  }
0x1: {  	s4 =	rddreg [dreg:$0x0]  }
0x2: {  	s0 =	rddreg [dreg:$0x1]  }
0x3: {  	s1 =	srdreg.scid;
	s10 =	rddreg [dreg:$0x2]  }
0x4: {  	s9 =	stileid.u32;
	s2 =	rddreg [dreg:$0x3]  }
0x5: {  	s3 =	simm.s32 $0x0;
	s13 =	simm.s32 $0xC80;
	s14 =	simm.s32 $0x4C80  }
0x6: {  	s15 =	simm.s32 $0x1;
	s16 =	simm.s32 $0x3;
	s17 =	simm.s32 $0x100  }
0x7: {  	s18 =	simm.s32 $0x2;
	s19 =	simm.s32 $0x4;
	s20 =	simm.s32 $0x0  }
0x8: {  	s5 =	sand.u32 $0x1, s1;
	s30 =	sshll.u32 s9, $0x1;
	s1 =	rddreg [dreg:$0x4]  }
0x9: {  	[smem:$0x7FF] =	sst s3;
	s8 =	smul.u32 $0x1900, s9;
	p0 =	sne.s32 s9, $0x0  }
0xa: {  	s6 =	sor.u32 s5, s30;
	s7 =	ssub.s32 $0x2, s5;
	s5 =	smul.u32 $0xC80, s5  }
0xb: {  	_ =	strace $0x80000047;
	s6 =	smul.u32 $0xC80, s6;
	s11 =	sshrl.u32 s7, $0x1  }
0xc: {  	s7 =	ssub.s32 s7, s11;
	s11 =	sadd.s32 $0x80, s2;
	s8 =	sadd.s32 s5, s8  }
0xd: {  	s6 =	smin.u32 s6, $0x17A20;
	s8 =	smin.u32 s8, $0x17A20;
	s7 =	smax.u32 s7, $0x1  }
0xe: {  	s12 =	sshrl.u32 s6, $0x3;
	s6 =	sshll.u32 s6, $0x4;
	s31 =	sshll.u32 s8, $0x4  }
0xf: {  	s4 =	sadd.s32 s4, s12;
	s5 =	sadd.s32 s10, s6;
	s10 =	sadd.s32 s31, s10  }
0x10: {  	s12 =	simm.s32 $0x80;
	s6 =	sadd.s32 $0xC000, s5;
	s8 =	sadd.s32 $0x800, s5  }
0x11: {  	s9 =	sadd.s32 $0x1000, s10;
	s10 =	sshrl.u32 @!p0 s11, $0x3;
	s11 =	simm.s32 $0x5  }
.LBB2_1:
0x12: {  	s21 =	simm.s32 @!p0 $0x1C05  }
0x13: {  	[spmem:s10], [sflag:s21] =	dma.local @!p0 [hbm:s0], $0x640  }
0x14: {  	s21 =	simm.s32 @!p0 $0x5  }
0x15: {  	_ =	swait.ge @!p0 [sflag:s21], $0x640  }
0x16: {  	[sflag:s21] =	ssyncset.done @!p0 $0x0  }
0x17: {  	[sflag:s21] =	ssyncadd.s32 @!p0 $0xFFFFF9C0  }
0x18: {  	[tilespmem:s3], [sflag:$0x5] =	stream.linear.gather [hbm4b:s4+s3], $0xC80, $0x38;
	[tilespmem:$0x8FA8] =	vst v63  }
0x19: {  	_ =	swait.ge [sflag:s11], $0xC80  }
0x1a: {  	[sflag:s11] =	ssyncset.done $0x0  }
0x1b: {  	[sflag:s11] =	ssyncadd.s32 $0xFFFFF380  }
0x1c: {  	[bflag:$0x0] =	sbarrier.arrive $0xFFFF  }
0x1d: {  	[tilespmem:s13], [sflag:$0x1] =	stream.indirect.gather [spmem:s2], $0x80, s3, s12, $0xb8;
	[tilespmem:$0x8FA8] =	vst v63  }
0x1e: {  	_ = 	snop  }
0x1f: {  	[tilespmem:s14], [sflag:$0x2] =	stream.indirect.gather [spmem:s2], $0x80, s12, s12, $0xb8;
	[tilespmem:$0x8FA8] =	vst v63  }
0x20: {  	_ =	swait.ge [sflag:s15], $0x4000  }
0x21: {  	[sflag:s15] =	ssyncset.done $0x0  }
0x22: {  	[sflag:s15] =	ssyncadd.s32 $0xFFFFC000  }
0x23: {  	[hbm4b:s5+s3] =	stream.linear.scatter [tilespmem:s13], [sflag:$0x3], $0x4000, $0x38;
	[tilespmem:$0x8FA8] =	vst v63  }
0x24: {  	_ =	swait.ge [sflag:s16], $0x4000  }
0x25: {  	[sflag:s16] =	ssyncset.done $0x0  }
0x26: {  	[sflag:s16] =	ssyncadd.s32 $0xFFFFC000  }
0x27: {  	[tilespmem:s13], [sflag:$0x1] =	stream.indirect.gather [spmem:s2], $0x80, s17, s12, $0xb8;
	[tilespmem:$0x8FA8] =	vst v63  }
0x28: {  	_ =	swait.ge [sflag:s18], $0x4000  }
0x29: {  	[sflag:s18] =	ssyncset.done $0x0  }
0x2a: {  	[sflag:s18] =	ssyncadd.s32 $0xFFFFC000  }
0x2b: {  	[hbm4b:s8+s3] =	stream.linear.scatter [tilespmem:s14], [sflag:$0x4], $0x4000, $0x38;
	[tilespmem:$0x8FA8] =	vst v63  }
0x2c: {  	_ =	swait.ge [sflag:s19], $0x4000  }
0x2d: {  	[sflag:s19] =	ssyncset.done $0x0  }
0x2e: {  	s30 =	simm.s32 $0x180;
	[sflag:s19] =	ssyncadd.s32 $0xFFFFC000  }
0x2f: {  	[tilespmem:s14], [sflag:$0x2] =	stream.indirect.gather [spmem:s2], $0x80, s30, s12, $0xb8;
	[tilespmem:$0x8FA8] =	vst v63  }
0x30: {  	_ =	swait.ge [sflag:s15], $0x4000  }
0x31: {  	[sflag:s15] =	ssyncset.done $0x0  }
0x32: {  	[sflag:s15] =	ssyncadd.s32 $0xFFFFC000  }
0x33: {  	[hbm4b:s9+s3] =	stream.linear.scatter [tilespmem:s13], [sflag:$0x3], $0x4000, $0x38;
	[tilespmem:$0x8FA8] =	vst v63  }
0x34: {  	_ =	swait.ge [sflag:s16], $0x4000  }
0x35: {  	[sflag:s16] =	ssyncset.done $0x0  }
0x36: {  	s31 =	simm.s32 $0x200;
	[sflag:s16] =	ssyncadd.s32 $0xFFFFC000  }
0x37: {  	[tilespmem:s13], [sflag:$0x1] =	stream.indirect.gather [spmem:s2], $0x80, s31, s12, $0xb8;
	[tilespmem:$0x8FA8] =	vst v63  }
0x38: {  	_ =	swait.ge [sflag:s18], $0x4000  }
0x39: {  	s23 =	sadd.s32 $0x800, s9;
	[sflag:s18] =	ssyncset.done $0x0  }
0x3a: {  	s22 =	sadd.s32 $0x1000, s9;
	s21 =	simm.s32 $0xFFFFD800;
	[sflag:s18] =	ssyncadd.s32 $0xFFFFC000  }
.LBB2_2:
0x3b: {  	[hbm4b:s23+s3] =	stream.linear.scatter [tilespmem:s14], [sflag:$0x4], $0x4000, $0x38;
	[tilespmem:$0x8FA8] =	vst v63  }
0x3c: {  	s23 =	smov.u32 s21  }
0x3d: {  	p1 =	sne.s32 s21, $0xFFFFFC00;
	s21 =	sadd.s32 $0x400, s21;
	_ =	swait.ge [sflag:s19], $0x4000  }
0x3e: {  	s23 =	sshra.s32 s23, $0x2;
	[sflag:s19] =	ssyncset.done $0x0  }
0x3f: {  	s24 =	sadd.s32 $0xC80, s23;
	[sflag:s19] =	ssyncadd.s32 $0xFFFFC000  }
0x40: {  	[tilespmem:s14], [sflag:$0x2] =	stream.indirect.gather [spmem:s2], $0x80, s24, s12, $0xb8;
	[tilespmem:$0x8FA8] =	vst v63  }
0x41: {  	_ =	swait.ge [sflag:s15], $0x4000  }
0x42: {  	[sflag:s15] =	ssyncset.done $0x0  }
0x43: {  	[sflag:s15] =	ssyncadd.s32 $0xFFFFC000  }
0x44: {  	[hbm4b:s22+s3] =	stream.linear.scatter [tilespmem:s13], [sflag:$0x3], $0x4000, $0x38;
	[tilespmem:$0x8FA8] =	vst v63  }
0x45: {  	_ =	swait.ge [sflag:s16], $0x4000  }
0x46: {  	[sflag:s16] =	ssyncset.done $0x0  }
.Ltmp0:
0x47: {  	s23 =	sadd.s32 $0xD00, s23;
	[sflag:s16] =	ssyncadd.s32 $0xFFFFC000;
	(pc) =	sbr.rel @p1 .LBB2_2-.Ltmp0, $4  }
0x48: {  	[tilespmem:s13], [sflag:$0x1] =	stream.indirect.gather [spmem:s2], $0x80, s23, s12, $0xb8;
	[tilespmem:$0x8FA8] =	vst v63  }
0x49: {  	_ =	swait.ge [sflag:s18], $0x4000  }
0x4a: {  	[sflag:s18] =	ssyncset.done $0x0  }
0x4b: {  	s23 =	sadd.s32 $0x800, s22;
	s22 =	sadd.s32 $0x1000, s22;
	[sflag:s18] =	ssyncadd.s32 $0xFFFFC000  }
0x4c: {  	[hbm4b:s23+s3] =	stream.linear.scatter [tilespmem:s14], [sflag:$0x4], $0x4000, $0x38;
	[tilespmem:$0x8FA8] =	vst v63  }
0x4d: {  	_ =	swait.ge [sflag:s19], $0x4000  }
0x4e: {  	[sflag:s19] =	ssyncset.done $0x0  }
0x4f: {  	[sflag:s19] =	ssyncadd.s32 $0xFFFFC000  }
0x50: {  	s20 =	sadd.s32 $0x1, s20;
	_ =	swait.ge [sflag:s15], $0x4000  }
0x51: {  	p1 =	sne.s32 s20, s7;
	[sflag:s15] =	ssyncset.done $0x0  }
.Ltmp1:
0x52: {  	[sflag:s15] =	ssyncadd.s32 $0xFFFFC000;
	(pc) =	sbr.rel @p1 .LBB2_1-.Ltmp1, $4  }
0x53: {  	[hbm4b:s6+s3] =	stream.linear.scatter [tilespmem:s13], [sflag:$0x5], $0x4000, $0x38;
	[tilespmem:$0x8FA8] =	vst v63  }
0x54: {  	_ =	swait.ge [sflag:s11], $0x4000  }
0x55: {  	[sflag:s11] =	ssyncset.done $0x0  }
0x56: {  	[sflag:s11] =	ssyncadd.s32 $0xFFFFC000  }
0x57: {  	_ =	sfence.sel $0x180000  }
0x58: {  	[bflag:$0x0] =	sbarrier.arrive $0xFFFF  }
0x59: {  	_ =	strace $0x90000047  }
0x5a: {  	s0 =	sadd.s32 @!p0 $0x100000, s1;
	[bflag:$0x2] =	sbarrier.arrive $0xFFFF  }
0x5b: {  	[sflag:s0] =	ssyncadd.tile.s32 @!p0 $0x1;
	_ =	shalt  }
.Lfunc_end2:
_tile_overlayer_lowered:
.L_overlay_start_2:
0x5c: {  	(tag) =	ssettag $0x2  }
0x5d: {  	s0 =	rddreg [dreg:$0x0];
	s2 =	stileid.u32  }
0x5e: {  	s1 =	rddreg [dreg:$0x1];
	p0 =	sne.s32 s2, $0x0  }
0x5f: {  	s3 =	rddreg [dreg:$0x2];
	[bflag:$0x3] =	sbarrier.arrive $0xFFFF;
	s2 =	simm.s32 @!p0 $0x1C05  }
0x60: {  	[timem:s3], [sflag:s2] =	dma.local @!p0 [hbm:s0], s1  }
0x61: {  	s0 =	simm.s32 @!p0 $0x5  }
0x62: {  	_ =	swait.ge @!p0 [sflag:s0], s1  }
0x63: {  	s1 =	ssub.s32 @!p0 $0x0, s1;
	[sflag:s0] =	ssyncset.done @!p0 $0x0  }
0x64: {  	[sflag:s0] =	ssyncadd.s32 @!p0 s1  }
0x65: {  	[bflag:$0x3] =	sbarrier.arrive $0xFFFF  }
0x66: {  	_ =	shalt  }

</sc_bundles>
